<compile_context>
chip_gen: v7x
topology: tpu7x:2x2x1
jax: 0.10.2.dev20260603
libtpu: 0.0.44.dev20260713+nightly
codegen_flags: <defaults>
</compile_context>

<pallas_src>
import jax
import jax.numpy as jnp
from jax import lax
from jax.experimental import pallas as pl
from jax.experimental.pallas import tpu as pltpu
from jax.experimental.pallas import tpu_sc as plsc

_VOCAB = 32000
_NC, _NS, _L = 2, 16, 16


def _zero_body(out_ref):
    out_ref[...] = jnp.zeros(out_ref.shape, jnp.float32)


def _scatter_body(ids_hbm, anchor_hbm, out_ref, ids_v, anc_v, vbuf):
    b = lax.axis_index("c") * _NS + lax.axis_index("s")
    s = ids_hbm.shape[1]
    pltpu.sync_copy(ids_hbm.at[b, pl.ds(s - _L, _L)], ids_v)
    pltpu.sync_copy(anchor_hbm, anc_v.at[pl.ds(0, 1)])
    tok = (ids_v[...][_L - 1] + 1) % (_VOCAB - 1) + 1
    val = 10.0 + anc_v[...][0]
    off = (tok // _L) * _L
    vbuf[...] = jnp.where(lax.iota(jnp.int32, _L) == tok - off, val, 0.0)
    pltpu.sync_copy(vbuf, out_ref.at[b, s - 1, pl.ds(off, _L)])


def kernel(input_ids, anchor):
    batch, seq_len = input_ids.shape
    zeros = pl.pallas_call(
        _zero_body,
        grid=(batch,),
        out_specs=pl.BlockSpec((1, seq_len, _VOCAB), lambda b: (b, 0, 0)),
        out_shape=jax.ShapeDtypeStruct((batch, seq_len, _VOCAB), jnp.float32),
    )()
    mesh = plsc.VectorSubcoreMesh(
        core_axis_name="c", subcore_axis_name="s",
        num_cores=_NC, num_subcores=_NS,
    )
    scatter = pl.kernel(
        _scatter_body,
        out_type=(),
        mesh=mesh,
        scratch_types=[
            pltpu.VMEM((_L,), jnp.int32),
            pltpu.VMEM((_L,), jnp.float32),
            pltpu.VMEM((_L,), jnp.float32),
        ],
    )
    logits_ref = jax.new_ref(zeros)
    scatter(input_ids, anchor, logits_ref)
    return logits_ref[...]

# --- scband reference (transcript-rebuilt; emitter-appended) ---
"""Pipeline reference for scband-toy-lm-75642964017942 (READ-ONLY COPY).

The authoritative reference and input builder live on the scoring server;
editing this copy changes nothing except your own understanding.
"""

import jax, jax.numpy as jnp
import numpy as np

VOCAB = 32000
EXTRA_OFFSET = 0


def setup_inputs(seed: int = 0) -> dict:
    key = jax.random.key(seed)
    k1, k2 = jax.random.split(key)
    input_ids = jax.random.randint(k1, (32, 32), 0, VOCAB, dtype=jnp.int32)
    anchor = jnp.zeros((1,), dtype=jnp.float32)
    return {"input_ids": input_ids, "anchor": anchor}


def reference(input_ids, anchor):
    batch, seq_len = input_ids.shape
    logits = jnp.zeros((batch, seq_len, VOCAB), dtype=jnp.float32)
    next_token = (input_ids[:, -1] + 1 + EXTRA_OFFSET) % (VOCAB - 1) + 1
    rows = jnp.arange(batch)
    # scatter-overwrite: logits[rows, -1, next_token] = 10.0 + anchor
    logits = logits.at[rows, seq_len - 1, next_token].set(10.0 + anchor)
    return logits

if __name__ == "__main__":
    import jax
    _d = setup_inputs()
    print(jax.jit(kernel)(*tuple(_d.values())))

</pallas_src>

<mosaic_0001>
#map = affine_map<(d0, d1) -> (0, 0)>
#map1 = affine_map<(d0, d1) -> (0)>
#map2 = affine_map<(d0, d1) -> (0, 0, 0)>
module attributes {stable_mosaic.version = 14 : i64} {
  func.func @new_body(%arg0: i32, %arg1: i32, %arg2: memref<32x32xi32, #tpu.memory_space<hbm>>, %arg3: memref<1xf32, #tpu.memory_space<hbm>>, %arg4: memref<32x32x32000xf32, #tpu.memory_space<hbm>>, %arg5: memref<32x32x32000xf32, #tpu.memory_space<hbm>>, %arg6: memref<16xi32, #tpu.memory_space<vmem>>, %arg7: memref<16xf32, #tpu.memory_space<vmem>>, %arg8: memref<16xf32, #tpu.memory_space<vmem>>) attributes {dimension_semantics = [#tpu.dimension_semantics<core_parallel>, #tpu.dimension_semantics<subcore_parallel>], iteration_bounds = array<i64: 2, 16>, scalar_prefetch = 0 : i64, scratch_operands = 3 : i64, tpu.core_type = #tpu.core_type<sc_vector_subcore>, window_params = [{transform_indices = #map}, {transform_indices = #map1}, {transform_indices = #map2}, {transform_indices = #map2}]} {
    %mul3A = arith.constant 16 : i32
    %mul3A_0 = arith.muli %arg0, %mul3A : i32
    %add3A = arith.addi %mul3A_0, %arg1 : i32
    "tpu.region"() ({
      %run_scoped3A_55 = tpu.sem_alloc : memref<!tpu.dma_semaphore, #tpu.memory_space<semaphore_mem>>
      %dma_start3A = arith.constant 16 : i32
      %dma_start3A_56 = tpu.memref_slice %arg2[%add3A, %dma_start3A] : memref<32x32xi32, #tpu.memory_space<hbm>> -> memref<1x16xi32, #tpu.memory_space<hbm>>
      %dma_start3A_57 = tpu.memref_squeeze %dma_start3A_56 : memref<1x16xi32, #tpu.memory_space<hbm>> -> memref<16xi32, #tpu.memory_space<hbm>>
      %dma_start3A_58 = arith.constant 16 : i32
      %dma_start3A_59 = tpu.memref_slice %arg2[%add3A, %dma_start3A_58] : memref<32x32xi32, #tpu.memory_space<hbm>> -> memref<1x16xi32, #tpu.memory_space<hbm>>
      %dma_start3A_60 = tpu.memref_squeeze %dma_start3A_59 : memref<1x16xi32, #tpu.memory_space<hbm>> -> memref<16xi32, #tpu.memory_space<hbm>>
      tpu.enqueue_dma source(%dma_start3A_60 : memref<16xi32, #tpu.memory_space<hbm>>) target(%arg6 : memref<16xi32, #tpu.memory_space<vmem>>) target_semaphore(%run_scoped3A_55 : memref<!tpu.dma_semaphore, #tpu.memory_space<semaphore_mem>>)
      %dma_wait3A = arith.constant 16 : i32
      %dma_wait3A_61 = tpu.memref_slice %arg2[%add3A, %dma_wait3A] : memref<32x32xi32, #tpu.memory_space<hbm>> -> memref<1x16xi32, #tpu.memory_space<hbm>>
      %dma_wait3A_62 = tpu.memref_squeeze %dma_wait3A_61 : memref<1x16xi32, #tpu.memory_space<hbm>> -> memref<16xi32, #tpu.memory_space<hbm>>
      %dma_wait3A_63 = arith.constant 16 : i32
      %dma_wait3A_64 = tpu.memref_slice %arg2[%add3A, %dma_wait3A_63] : memref<32x32xi32, #tpu.memory_space<hbm>> -> memref<1x16xi32, #tpu.memory_space<hbm>>
      %dma_wait3A_65 = tpu.memref_squeeze %dma_wait3A_64 : memref<1x16xi32, #tpu.memory_space<hbm>> -> memref<16xi32, #tpu.memory_space<hbm>>
      tpu.wait_dma2 semaphore(%run_scoped3A_55 : memref<!tpu.dma_semaphore, #tpu.memory_space<semaphore_mem>>) src(%dma_wait3A_65 : memref<16xi32, #tpu.memory_space<hbm>>) dst(%arg6 : memref<16xi32, #tpu.memory_space<vmem>>)
      tpu.yield
    }) : () -> ()
    "tpu.region"() ({
      %run_scoped3A_55 = tpu.sem_alloc : memref<!tpu.dma_semaphore, #tpu.memory_space<semaphore_mem>>
      %dma_start3A = arith.constant 0 : i32
      %dma_start3A_56 = tpu.memref_slice %arg7[%dma_start3A] : memref<16xf32, #tpu.memory_space<vmem>> -> memref<1xf32, #tpu.memory_space<vmem>>
      %dma_start3A_57 = arith.constant 0 : i32
      %dma_start3A_58 = tpu.memref_slice %arg7[%dma_start3A_57] : memref<16xf32, #tpu.memory_space<vmem>> -> memref<1xf32, #tpu.memory_space<vmem>>
      tpu.enqueue_dma source(%arg3 : memref<1xf32, #tpu.memory_space<hbm>>) target(%dma_start3A_58 : memref<1xf32, #tpu.memory_space<vmem>>) target_semaphore(%run_scoped3A_55 : memref<!tpu.dma_semaphore, #tpu.memory_space<semaphore_mem>>)
      %dma_wait3A = arith.constant 0 : i32
      %dma_wait3A_59 = tpu.memref_slice %arg7[%dma_wait3A] : memref<16xf32, #tpu.memory_space<vmem>> -> memref<1xf32, #tpu.memory_space<vmem>>
      %dma_wait3A_60 = arith.constant 0 : i32
      %dma_wait3A_61 = tpu.memref_slice %arg7[%dma_wait3A_60] : memref<16xf32, #tpu.memory_space<vmem>> -> memref<1xf32, #tpu.memory_space<vmem>>
      tpu.wait_dma2 semaphore(%run_scoped3A_55 : memref<!tpu.dma_semaphore, #tpu.memory_space<semaphore_mem>>) src(%arg3 : memref<1xf32, #tpu.memory_space<hbm>>) dst(%dma_wait3A_61 : memref<1xf32, #tpu.memory_space<vmem>>)
      tpu.yield
    }) : () -> ()
    %get3A = arith.constant 0 : index
    %get3A_1 = tpu.vector_load %arg6[%get3A] {strides = array<i32>} : memref<16xi32, #tpu.memory_space<vmem>>, vector<16xi32>,
    %get3A_2 = vector.shape_cast %get3A_1 : vector<16xi32> to vector<16xi32>
    %slice3A = vector.extract_strided_slice %get3A_2 {offsets = [15], sizes = [1], strides = [1]} : vector<16xi32> to vector<1xi32>
    %squeeze3A = vector.extract %slice3A[0] : i32 from vector<1xi32>
    %add3A_3 = arith.constant 1 : i32
    %add3A_4 = arith.addi %squeeze3A, %add3A_3 : i32
    %jit3A = arith.constant 31999 : i32
    %eq3A = arith.constant 0 : i32
    %eq3A_5 = arith.cmpi eq, %jit3A, %eq3A : i32
    %jit3A_6 = arith.constant 1 : i32
    %select_n3A = arith.select %eq3A_5, %jit3A_6, %jit3A : i32
    %rem3A = arith.remsi %add3A_4, %select_n3A : i32
    %ne3A = arith.constant 0 : i32
    %ne3A_7 = arith.cmpi ne, %rem3A, %ne3A : i32
    %lt3A = arith.constant 0 : i32
    %lt3A_8 = arith.cmpi slt, %rem3A, %lt3A : i32
    %lt3A_9 = arith.constant 0 : i32
    %lt3A_10 = arith.cmpi slt, %select_n3A, %lt3A_9 : i32
    %ne3A_11 = arith.xori %lt3A_8, %lt3A_10 : i1
    %and3A = arith.andi %ne3A_11, %ne3A_7 : i1
    %add3A_12 = arith.addi %rem3A, %select_n3A : i32
    %select_n3A_13 = arith.select %and3A, %add3A_12, %rem3A : i32
    %add3A_14 = arith.constant 1 : i32
    %add3A_15 = arith.addi %select_n3A_13, %add3A_14 : i32
    %get3A_16 = arith.constant 0 : index
    %get3A_17 = tpu.vector_load %arg7[%get3A_16] {strides = array<i32>} : memref<16xf32, #tpu.memory_space<vmem>>, vector<16xf32>,
    %get3A_18 = vector.shape_cast %get3A_17 : vector<16xf32> to vector<16xf32>
    %slice3A_19 = vector.extract_strided_slice %get3A_18 {offsets = [0], sizes = [1], strides = [1]} : vector<16xf32> to vector<1xf32>
    %squeeze3A_20 = vector.extract %slice3A_19[0] : f32 from vector<1xf32>
    %add3A_21 = arith.constant 1.000000e+01 : f32
    %add3A_22 = arith.addf %add3A_21, %squeeze3A_20 : f32
    %jit3A_23 = arith.constant 16 : i32
    %div3A = arith.divsi %add3A_15, %jit3A_23 : i32
    %sign3A = arith.constant 0 : i32
    %sign3A_24 = arith.cmpi sgt, %add3A_15, %sign3A : i32
    %sign3A_25 = arith.extui %sign3A_24 : i1 to i32
    %sign3A_26 = arith.constant 0 : i32
    %sign3A_27 = arith.cmpi slt, %add3A_15, %sign3A_26 : i32
    %sign3A_28 = arith.extui %sign3A_27 : i1 to i32
    %sign3A_29 = arith.subi %sign3A_25, %sign3A_28 : i32
    %sign3A_30 = arith.constant 0 : i32
    %sign3A_31 = arith.cmpi sgt, %jit3A_23, %sign3A_30 : i32
    %sign3A_32 = arith.extui %sign3A_31 : i1 to i32
    %sign3A_33 = arith.constant 0 : i32
    %sign3A_34 = arith.cmpi slt, %jit3A_23, %sign3A_33 : i32
    %sign3A_35 = arith.extui %sign3A_34 : i1 to i32
    %sign3A_36 = arith.subi %sign3A_32, %sign3A_35 : i32
    %ne3A_37 = arith.cmpi ne, %sign3A_29, %sign3A_36 : i32
    %rem3A_38 = arith.remsi %add3A_15, %jit3A_23 : i32
    %ne3A_39 = arith.constant 0 : i32
    %ne3A_40 = arith.cmpi ne, %rem3A_38, %ne3A_39 : i32
    %and3A_41 = arith.andi %ne3A_37, %ne3A_40 : i1
    %sub3A = arith.constant 1 : i32
    %sub3A_42 = arith.subi %div3A, %sub3A : i32
    %select_n3A_43 = arith.select %and3A_41, %sub3A_42, %div3A : i32
    %mul3A_44 = arith.constant 16 : i32
    %mul3A_45 = arith.muli %select_n3A_43, %mul3A_44 : i32
    %iota3A = tpu.iota {dimensions = array<i32: 0>} : vector<16xi32>
    %sub3A_46 = arith.subi %add3A_15, %mul3A_45 : i32
    %eq3A_47 = vector.broadcast %sub3A_46 : i32 to vector<16xi32>
    %eq3A_48 = arith.cmpi eq, %iota3A, %eq3A_47 : vector<16xi32>
    %jit3A_49 = arith.constant 0.000000e+00 : f32
    %broadcast_in_dim3A = vector.broadcast %add3A_22 : f32 to vector<16xf32>
    %broadcast_in_dim3A_50 = vector.broadcast %jit3A_49 : f32 to vector<16xf32>
    %select_n3A_51 = arith.select %eq3A_48, %broadcast_in_dim3A, %broadcast_in_dim3A_50 : vector<16xi1>, vector<16xf32>
    %swap3A = arith.constant 0 : index
    %swap3A_52 = tpu.vector_load %arg8[%swap3A] {strides = array<i32>} : memref<16xf32, #tpu.memory_space<vmem>>, vector<16xf32>,
    %swap3A_53 = vector.shape_cast %swap3A_52 : vector<16xf32> to vector<16xf32>
    %swap3A_54 = vector.shape_cast %select_n3A_51 : vector<16xf32> to vector<16xf32>
    tpu.vector_store %arg8[%swap3A], %swap3A_54 {strides = array<i32>} : memref<16xf32, #tpu.memory_space<vmem>>, vector<16xf32>,
    %run_scoped3A = arith.constant 31 : i32
    "tpu.region"() ({
      %run_scoped3A_55 = tpu.sem_alloc : memref<!tpu.dma_semaphore, #tpu.memory_space<semaphore_mem>>
      %dma_start3A = tpu.memref_slice %arg4[%add3A, %run_scoped3A, %mul3A_45] : memref<32x32x32000xf32, #tpu.memory_space<hbm>> -> memref<1x1x16xf32, #tpu.memory_space<hbm>>
      %dma_start3A_56 = tpu.memref_squeeze %dma_start3A : memref<1x1x16xf32, #tpu.memory_space<hbm>> -> memref<16xf32, #tpu.memory_space<hbm>>
      %dma_start3A_57 = tpu.memref_slice %arg4[%add3A, %run_scoped3A, %mul3A_45] : memref<32x32x32000xf32, #tpu.memory_space<hbm>> -> memref<1x1x16xf32, #tpu.memory_space<hbm>>
      %dma_start3A_58 = tpu.memref_squeeze %dma_start3A_57 : memref<1x1x16xf32, #tpu.memory_space<hbm>> -> memref<16xf32, #tpu.memory_space<hbm>>
      tpu.enqueue_dma source(%arg8 : memref<16xf32, #tpu.memory_space<vmem>>) target(%dma_start3A_58 : memref<16xf32, #tpu.memory_space<hbm>>) target_semaphore(%run_scoped3A_55 : memref<!tpu.dma_semaphore, #tpu.memory_space<semaphore_mem>>)
      %dma_wait3A = tpu.memref_slice %arg4[%add3A, %run_scoped3A, %mul3A_45] : memref<32x32x32000xf32, #tpu.memory_space<hbm>> -> memref<1x1x16xf32, #tpu.memory_space<hbm>>
      %dma_wait3A_59 = tpu.memref_squeeze %dma_wait3A : memref<1x1x16xf32, #tpu.memory_space<hbm>> -> memref<16xf32, #tpu.memory_space<hbm>>
      %dma_wait3A_60 = tpu.memref_slice %arg4[%add3A, %run_scoped3A, %mul3A_45] : memref<32x32x32000xf32, #tpu.memory_space<hbm>> -> memref<1x1x16xf32, #tpu.memory_space<hbm>>
      %dma_wait3A_61 = tpu.memref_squeeze %dma_wait3A_60 : memref<1x1x16xf32, #tpu.memory_space<hbm>> -> memref<16xf32, #tpu.memory_space<hbm>>
      tpu.wait_dma2 semaphore(%run_scoped3A_55 : memref<!tpu.dma_semaphore, #tpu.memory_space<semaphore_mem>>) src(%arg8 : memref<16xf32, #tpu.memory_space<vmem>>) dst(%dma_wait3A_61 : memref<16xf32, #tpu.memory_space<hbm>>)
      tpu.yield
    }) : () -> ()
    return
  }
}

module attributes {stable_mosaic.version = 14 : i64} {
  func.func @_zero_body(%arg0: i32, %arg1: memref<1x32x32000xf32, #tpu.memory_space<vmem>>) attributes {dimension_semantics = [#tpu.dimension_semantics<arbitrary>], iteration_bounds = array<i64: 32>, scalar_prefetch = 0 : i64, scratch_operands = 0 : i64, tpu.core_type = #tpu.core_type<tc>, window_params = [{transform_indices = @transform_0, window_bounds = array<i64: 1, 32, 32000>}]} {
    %broadcast_in_dim3A = arith.constant 0.000000e+00 : f32
    %broadcast_in_dim3A_0 = vector.broadcast %broadcast_in_dim3A : f32 to vector<1x32x32000xf32>
    %swap3A = arith.constant 0 : index
    %swap3A_1 = arith.constant 0 : index
    %swap3A_2 = arith.constant 0 : index
    %swap3A_3 = vector.load %arg1[%swap3A, %swap3A_1, %swap3A_2] : memref<1x32x32000xf32, #tpu.memory_space<vmem>>, vector<1x32x32000xf32>
    tpu.vector_store %arg1[%swap3A, %swap3A_1, %swap3A_2], %broadcast_in_dim3A_0 {strides = array<i32>} : memref<1x32x32000xf32, #tpu.memory_space<vmem>>, vector<1x32x32000xf32>,
    return
  }
  func.func @transform_0(%arg0: i32) -> (i32, i32, i32) {
    %c0_i32 = arith.constant 0 : i32
    %c0_i32_0 = arith.constant 0 : i32
    %c0_i32_1 = arith.constant 0 : i32
    return %arg0, %c0_i32, %c0_i32_0 : i32, i32, i32
  }
}

</mosaic_0001>

<sc_bundles>
// kernel: kernel.4.cloned.1.call-start
scs
__scs_entry_jumppad:
0x0: {  	(pc) =	sbr.rel $0x88, $3  }
0x1: {  	(tag) =	ssettag $0x0;
	lr =	simm.s32 $0x1  }
0x2: {  	[smem:$0x3F9F] =	sst lr;
	_ =	strace $0xD0000000  }
0x3: {  	_ = 	snop  }
0x4: {  	_ = 	snop  }
0x5: {  	_ = 	snop  }
0x6: {  	_ = 	snop  }
0x7: {  	_ = 	snop  }
__scs_overlays_trampoline_lowered:
0x8: {  	[smem:$0x3FAE] =	sst s0  }
0x9: {  	[smem:$0x3FAF] =	sst s1  }
0xa: {  	[smem:$0x3FB0] =	sst s2  }
0xb: {  	[smem:$0x3FB1] =	sst s3  }
0xc: {  	[smem:$0x3FB2] =	sst s4  }
0xd: {  	[smem:$0x3FB3] =	sst s5  }
0xe: {  	[smem:$0x3FB4] =	sst s6  }
0xf: {  	[smem:$0x3FB5] =	sst s7  }
0x10: {  	[smem:$0x3FB6] =	sst s8  }
0x11: {  	[smem:$0x3FB7] =	sst s9;
	s0 =	simm.s32 @!p0 $0x0  }
0x12: {  	s1 =	sld [smem:$0x3F9D];
	s0 =	simm.s32 @p0 $0x1  }
0x13: {  	[smem:$0x3FB8] =	sst s0;
	s0 =	simm.s32 @!p1 $0x0  }
0x14: {  	s2 =	sld [smem:$0x3F9C];
	s0 =	simm.s32 @p1 $0x1  }
0x15: {  	[smem:$0x3FB9] =	sst s0;
	s0 =	simm.s32 @!p2 $0x0  }
0x16: {  	s3 =	sld [smem:$0x3FDB];
	s0 =	simm.s32 @p2 $0x1  }
0x17: {  	s4 =	simm.s32 $0x1BF5;
	[smem:$0x3FBB] =	sst s0  }
0x18: {  	s0 =	sld [smem:$0x3F9E];
	_ =	swait.ge [sflag:s4], $0x0  }
0x19: {  	s7 =	sld [smem:$0x3F9F]  }
0x1a: {  	s8 =	sadd.s32 $0xFFFFE003, lr  }
0x1b: {  	s9 =	sadd.s32 $0xFFFFFEF7, lr;
	s5 =	simm.s32 $0xFFFFFFFF;
	p2 =	slt.u32 s8, $0xFFFFF086  }
0x1c: {  	p1 =	slt.u32 s9, $0xF7A;
	s5 =	simm.s32 @!p2 $0x0  }
0x1d: {  	s5 =	simm.s32 @p1 $0x1;
	p0 =	seq.s32 s7, s2  }
0x1e: {  	s7 =	smul.u32 @!p0 $0xF7A, s2;
	p2 =	seq.s32 @!p0 s5, $0x0  }
0x1f: {  	s9 =	smul.u32 $0xF7A, s1;
	s8 =	simm.s32 @!p0 $0x1BF5;
	p2 =	por !p2, p0  }
0x20: {  	[sflag:s8] =	ssyncset.s32 @!p0 $0xFFFFF086;
	s6 =	sadd.s32 @!p0 s3, s7;
	s7 =	simm.s32 @!p0 $0x108  }
0x21: {  	s3 =	sadd.s32 s3, s9;
	s6 =	sadd.s32 @!p0 $0x88, s6;
	s7 =	simm.s32 @p2 $0x1082  }
0x22: {  	[simem:s7], [sflag:s8] =	dma.local @!p0 [hbm:s6], $0xF7A  }
0x23: {  	s9 =	sor.u32 $0xD0000000, s2;
	s6 =	simm.s32 $0x108;
	_ =	swait.ge @!p0 [sflag:s8], $0x0  }
0x24: {  	s3 =	sadd.s32 $0x88, s3;
	s6 =	simm.s32 @!p1 $0x1082;
	[sflag:s4] =	ssyncset.s32 $0xFFFFF086  }
0x25: {  	[simem:s6], [sflag:s4] =	dma.local [hbm:s3], $0xF7A  }
0x26: {  	[smem:$0x3F9F] =	sst s1;
	(tag) =	ssettag s2;
	_ =	strace s9  }
0x27: {  	s1 =	sld [smem:$0x3FAF]  }
0x28: {  	s2 =	sld [smem:$0x3FB0]  }
0x29: {  	s4 =	sld [smem:$0x3FB2]  }
0x2a: {  	p0 =	seq.s32 s5, $0x0;
	s5 =	sld [smem:$0x3FB3]  }
0x2b: {  	s6 =	sld [smem:$0x3FB4]  }
0x2c: {  	s7 =	sld [smem:$0x3FB5]  }
0x2d: {  	s3 =	simm.s32 $0x108;
	s8 =	sld [smem:$0x3FB6]  }
0x2e: {  	s3 =	simm.s32 @!p0 $0x1082;
	s9 =	sld [smem:$0x3FB7]  }
0x2f: {  	lr =	sadd.s32 s0, s3;
	s0 =	sld [smem:$0x3FAE]  }
0x30: {  	s3 =	sld [smem:$0x3FB1]  }
0x31: {  	[smem:$0x3FBA] =	sst s10  }
0x32: {  	s10 =	sld [smem:$0x3FB8];
	_ =	sdelay $0x3  }
0x33: {  	p0 =	seq.s32 s10, $0x1;
	s10 =	sld [smem:$0x3FBA];
	_ =	sdelay $0x3  }
0x34: {  	[smem:$0x3FBA] =	sst s10  }
0x35: {  	s10 =	sld [smem:$0x3FB9];
	_ =	sdelay $0x3  }
0x36: {  	p1 =	seq.s32 s10, $0x1;
	s10 =	sld [smem:$0x3FBA];
	_ =	sdelay $0x3  }
0x37: {  	[smem:$0x3FBA] =	sst s10  }
0x38: {  	s10 =	sld [smem:$0x3FBB]  }
0x39: {  	_ = 	snop;
	(pc) =	sbr.ind lr, $3  }
0x3a: {  	_ = 	snop  }
0x3b: {  	_ = 	snop  }
0x3c: {  	p2 =	seq.s32 s10, $0x1;
	s10 =	sld [smem:$0x3FBA]  }
0x3d: {  	_ =	shalt  }
0x3e: {  	_ =	shalt  }
0x3f: {  	_ =	shalt  }
0x40: {  	_ =	shalt  }
0x41: {  	_ =	shalt  }
0x42: {  	_ =	shalt  }
0x43: {  	_ =	shalt  }
0x44: {  	_ =	shalt  }
0x45: {  	_ =	shalt  }
0x46: {  	_ =	shalt  }
0x47: {  	_ =	shalt  }
0x48: {  	_ =	shalt  }
0x49: {  	_ =	shalt  }
0x4a: {  	_ =	shalt  }
0x4b: {  	_ =	shalt  }
0x4c: {  	_ =	shalt  }
0x4d: {  	_ =	shalt  }
0x4e: {  	_ =	shalt  }
0x4f: {  	_ =	shalt  }
0x50: {  	_ =	shalt  }
0x51: {  	_ =	shalt  }
0x52: {  	_ =	shalt  }
0x53: {  	_ =	shalt  }
0x54: {  	_ =	shalt  }
0x55: {  	_ =	shalt  }
0x56: {  	_ =	shalt  }
0x57: {  	_ =	shalt  }
0x58: {  	_ =	shalt  }
0x59: {  	_ =	shalt  }
0x5a: {  	_ =	shalt  }
0x5b: {  	_ =	shalt  }
0x5c: {  	_ =	shalt  }
0x5d: {  	_ =	shalt  }
0x5e: {  	_ =	shalt  }
0x5f: {  	_ =	shalt  }
0x60: {  	_ =	shalt  }
0x61: {  	_ =	shalt  }
0x62: {  	_ =	shalt  }
0x63: {  	_ =	shalt  }
0x64: {  	_ =	shalt  }
0x65: {  	_ =	shalt  }
0x66: {  	_ =	shalt  }
0x67: {  	_ =	shalt  }
0x68: {  	_ =	shalt  }
0x69: {  	_ =	shalt  }
0x6a: {  	_ =	shalt  }
0x6b: {  	_ =	shalt  }
0x6c: {  	_ =	shalt  }
0x6d: {  	_ =	shalt  }
0x6e: {  	_ =	shalt  }
0x6f: {  	_ =	shalt  }
0x70: {  	_ =	shalt  }
0x71: {  	_ =	shalt  }
0x72: {  	_ =	shalt  }
0x73: {  	_ =	shalt  }
0x74: {  	_ =	shalt  }
0x75: {  	_ =	shalt  }
0x76: {  	_ =	shalt  }
0x77: {  	_ =	shalt  }
0x78: {  	_ =	shalt  }
0x79: {  	_ =	shalt  }
0x7a: {  	_ =	shalt  }
0x7b: {  	_ =	shalt  }
0x7c: {  	_ =	shalt  }
0x7d: {  	_ =	shalt  }
0x7e: {  	_ =	shalt  }
0x7f: {  	_ =	shalt  }
0x80: {  	_ =	shalt  }
0x81: {  	_ =	shalt  }
0x82: {  	_ =	shalt  }
0x83: {  	_ =	shalt  }
0x84: {  	_ =	shalt  }
0x85: {  	_ =	shalt  }
0x86: {  	_ =	shalt  }
0x87: {  	_ =	shalt  }
.Lfunc_end0:
.L_simem_size_0:
called_computation_lowered:
.L_overlay_start_0:
0x88: {  	s2 =	sld [smem:$0x3FD9]  }
0x89: {  	s3 =	sld [smem:$0x3FFE];
	_ =	sdelay $0x1  }
0x8a: {  	s1 =	srdreg.scid  }
0x8b: {  	s0 =	sand.u32 $0x1, s1  }
0x8c: {  	s18 =	sshll.u32 s0, $0xA;
	s2 =	sadd.s32 s3, s2  }
0x8d: {  	s2 =	sadd.s32 s2, s18  }
0x8e: {  	[smem:$0x3FC6] =	sst s2  }
0x8f: {  	_ = 	snop  }
0x90: {  	s2 =	sld [smem:$0x3FC9]  }
0x91: {  	s19 =	sld [smem:$0x3FC8]  }
0x92: {  	s4 =	sld [smem:$0x3FD0];
	(tm) =	ssettm $0x1  }
0x93: {  	s5 =	sld [smem:$0x3FFB];
	_ =	sdelay $0x3  }
0x94: {  	_ =	strace s5  }
0x95: {  	s5 =	sld [smem:$0x3FFC];
	_ =	sdelay $0x3  }
0x96: {  	_ =	strace s5  }
0x97: {  	s5 =	sld [smem:$0x3FFD];
	_ =	sdelay $0x3  }
0x98: {  	_ =	strace s5  }
0x99: {  	_ =	strace $0x8FFFFFFF  }
0x9a: {  	s20 =	sld [smem:$0x3FDB];
	_ =	sdelay $0x1  }
0x9b: {  	s6 =	simm.s32 $_scs_section_size  }
0x9c: {  	s7 =	simm.s32 $_size__tile_overlayer_lowered;
	s8 =	simm.s32 $_tile_overlayer_lowered  }
0x9d: {  	s23 =	simm.s32 $0x1BFF;
	s22 =	sshll.u32 s8, $0x1;
	s5 =	sadd.s32 s6, s20  }
0x9e: {  	s9 =	simm.s32 $0x0;
	s21 =	sshll.u32 s7, $0x1;
	s7 =	sadd.s32 s22, s5  }
0x9f: {  	[timem:s9], [sflag:s23] =	dma.local [hbm:s7], s21  }
0xa0: {  	_ =	swait.ge [sflag:s23], s21  }
0xa1: {  	s6 =	ssub.s32 $0x0, s21;
	[sflag:s23] =	ssyncset.done $0x0  }
0xa2: {  	[sflag:s23] =	ssyncadd.s32 s6;
	_ =	sdelay $0x1  }
0xa3: {  	s24 =	simm.s32 $0x1B8B  }
0xa4: {  	_ =	swait.ge [sflag:s24], $0x1  }
0xa5: {  	[sflag:s24] =	ssyncset.done $0x0  }
0xa6: {  	s25 =	simm.s32 $0x1B8E;
	[sflag:s24] =	ssyncadd.s32 $0xFFFFFFFF  }
0xa7: {  	s26 =	simm.s32 $execute0_lowered;
	[smem:$0x3FD2] =	sst s25  }
0xa8: {  	s6 =	sshll.u32 s26, $0x1;
	_ =	strace $0x80000046;
	[dreg:$0x1] =	wrdreg $0xFFFFFFFF  }
0xa9: {  	s28 =	simm.s32 $_size_execute0_lowered;
	s5 =	sadd.s32 s5, s6;
	[dreg:$0x0] =	wrdreg $0x0  }
0xaa: {  	s6 =	sshll.u32 s28, $0x1;
	[dreg:$0x2] =	wrdreg s5  }
0xab: {  	[dreg:$0x3] =	wrdreg s6  }
0xac: {  	[dreg:$0x4] =	wrdreg $0xC0  }
0xad: {  	_ =	task [dreg:s9], $0x5FFFF  }
0xae: {  	[dreg:$0x1] =	wrdreg $0xFFFFFFFF  }
0xaf: {  	[dreg:$0x0] =	wrdreg $0x60  }
0xb0: {  	[dreg:$0x2] =	wrdreg s2  }
0xb1: {  	[dreg:$0x3] =	wrdreg s19  }
0xb2: {  	[dreg:$0x4] =	wrdreg s4  }
0xb3: {  	[dreg:$0x5] =	wrdreg $0x9  }
0xb4: {  	_ =	task.clear_ibuf [dreg:s9], $0x6FFFF;
	_ =	strace $0x90000046  }
0xb5: {  	s29 =	simm.s32 $0x9;
	_ =	strace $0x80000048  }
0xb6: {  	_ =	swait.ge [sflag:s29], $0x1  }
0xb7: {  	[sflag:s29] =	ssyncadd.s32 $0xFFFFFFFF  }
0xb8: {  	_ =	strace $0x90000048  }
0xb9: {  	_ =	sfence  }
0xba: {  	s30 =	sld [smem:$0x0];
	_ =	sdelay $0x2  }
0xbb: {  	s31 =	sshll.u32 s1, $0xD;
	s1 =	sshrl.u32 s1, $0x2  }
0xbc: {  	s3 =	sand.u32 $0x4000, s31;
	s1 =	sadd.s32 s1, s30  }
0xbd: {  	s0 =	sor.u32 s3, s0;
	s1 =	sshll.u32 s1, $0x11  }
0xbe: {  	s0 =	sor.u32 s1, s0  }
0xbf: {  	s0 =	sadd.s32 $0x8F2B, s0  }
0xc0: {  	[sflag:s0] =	ssyncadd.remote.s32 $0x1  }
0xc1: {  	_ =	sfence.sel $0xFFFF  }
0xc2: {  	[dreg:$0x0] =	wrdreg $0xFFFFFFFF;
	(pc) =	sbr.abs _section_cstart, $3  }
0xc3: {  	[dreg:$0x1] =	wrdreg $0xFFFFFFFF  }
0xc4: {  	_ =	task.clear_ibuf [dreg:s9], $0x2FFFF;
	_ =	strace $0x9FFFFFFF  }
0xc5: {  	(tm) =	ssettm $0x7FFFFFFF  }
tec
execute0_lowered:
.L_overlay_start_1:
0x0: {  	(tag) =	ssettag $0x1  }
0x1: {  	s4 =	rddreg [dreg:$0x0]  }
0x2: {  	s2 =	rddreg [dreg:$0x1]  }
0x3: {  	s0 =	srdreg.scid;
	s6 =	rddreg [dreg:$0x2];
	s31 =	simm.s32 $0x80  }
0x4: {  	p0 =	por $0x0, $0x0;
	s3 =	sand.u32 $0x1, s0;
	s0 =	stileid.u32  }
0x5: {  	[dreg:$0x6] =	wrdreg s2;
	s1 =	sshll.u32 s3, $0x4;
	s3 =	ssub.s32 $0x2, s3  }
0x6: {  	s2 =	simm.s32 $0x0;
	s29 =	sadd.s32 $0x70, s6;
	s26 =	sshrl.u32 s3, $0x1  }
0x7: {  	s25 =	sshll.u32 s0, $0x4;
	[smem:$0x7FF] =	sst s2;
	s3 =	ssub.s32 s3, s26  }
0x8: {  	s5 =	sor.u32 s0, s1;
	s8 =	sand.u32 $0x70, s25;
	s30 =	smax.u32 s3, $0x1  }
0x9: {  	s1 =	sshll.u32 s5, $0x4;
	s5 =	smul.u32 $0xFA000, s5;
	p1 =	sne.s32 s30, $0x1  }
.Ltmp0:
0xa: {  	s7 =	sand.u32 $0x180, s1;
	s1 =	rddreg [dreg:$0x3];
	(pc) =	sbr.rel @!p1 .LBB2_3-.Ltmp0, $4  }
0xb: {  	_ =	strace $0x80000047;
	[dreg:$0x8] =	wrdreg s29;
	s7 =	sor.u32 s7, s8  }
0xc: {  	[dreg:$0x5] =	wrdreg s31;
	s28 =	sadd.s32 $0xBB800, s5;
	s4 =	sadd.s32 s7, s4  }
0xd: {  	s3 =	simm.s32 $0x1;
	[dreg:$0x7] =	wrdreg s28;
	s4 =	sadd.s32 $0x2, s4  }
0xe: {  	v0 =	vlaneseq.u32;
	s5 =	sadd.s32 $0xFFFFFFFF, s30;
	[dreg:$0x4] =	wrdreg s4;
	s4 =	simm.s32 $0x100  }
0xf: {  	s6 =	rddreg [dreg:$0x4]  }
0x10: {  	[tilespmem:s2], [sflag:$0x1] =	stream.linear.gather [hbm4b:s6+s2], $0x10, $0x38;
	[tilespmem:$0x180] =	vst v63  }
0x11: {  	_ =	swait.ge [sflag:s3], $0x10  }
0x12: {  	s24 =	rddreg [dreg:$0x5];
	[sflag:s3] =	ssyncset.done $0x0  }
0x13: {  	s7 =	rddreg [dreg:$0x6];
	[sflag:s3] =	ssyncadd.s32 $0xFFFFFFF0  }
0x14: {  	[tilespmem:s24], [sflag:$0x1] =	stream.linear.gather [hbm4b:s7+s2], $0x1, $0x38;
	[tilespmem:$0x180] =	vst v63  }
0x15: {  	_ =	swait.ge [sflag:s3], $0x1  }
0x16: {  	[sflag:s3] =	ssyncset.done $0x0  }
0x17: {  	[sflag:s3] =	ssyncadd.s32 $0xFFFFFFFF  }
0x18: {  	v1 =	vld [tilespmem:$0x0];
	_ =	sdelay $0x4  }
0x19: {  	(v2sf) =	vpush v1, $0xF;
	_ =	sdelay $0xe  }
0x1a: {  	v1 =	vld [tilespmem:$0x80];
	s25 =	spop (v2sf)  }
0x1b: {  	s6 =	sadd.s32 $0x1, s25  }
0x1c: {  	s26 =	smulhi.u32 $0x4189BD85, s6;
	s8 =	sshra.s32 s6, $0x1F  }
0x1d: {  	s8 =	smul.u32 $0x4189BD85, s8;
	_ =	sdelay $0x1  }
0x1e: {  	(v2sf) =	vpush v1, $0x0;
	s7 =	sadd.s32 s8, s26  }
0x1f: {  	s8 =	sshrl.u32 s7, $0x1F;
	s7 =	sshra.s32 s7, $0xD  }
0x20: {  	s7 =	sadd.s32 s8, s7  }
0x21: {  	s7 =	smul.u32 $0x7CFF, s7;
	_ =	sdelay $0x1  }
0x22: {  	s6 =	ssub.s32 s6, s7  }
0x23: {  	p0 =	slt.s32 s6, $0x0;
	s7 =	sadd.s32 $0x7CFF, s6  }
0x24: {  	s6 =	smov.u32 @p0 s7  }
0x25: {  	s7 =	sadd.s32 $0x1, s6  }
0x26: {  	s28 =	sand.u32 $0xF, s7  }
0x27: {  	p0 =	slt.s32 s6, $0x0;
	s9 =	sshra.s32 s7, $0x1F;
	p1 =	sne.s32 s28, $0x0  }
0x28: {  	s29 =	sshrl.u32 s9, $0x1C;
	p0 =	por !p0, !p1  }
0x29: {  	s8 =	simm.s32 $0x1;
	s6 =	sadd.s32 s29, s7;
	p0 =	por !p0, !p0  }
0x2a: {  	s6 =	sshra.s32 s6, $0x4;
	s8 =	simm.s32 @!p0 $0x0  }
0x2b: {  	s30 =	rddreg [dreg:$0x7];
	s6 =	ssub.s32 s6, s8  }
0x2c: {  	s31 =	spop (v2sf);
	s10 =	sshll.u32 s6, $0x4;
	s6 =	sshll.u32 s6, $0x7  }
0x2d: {  	s8 =	sadd.f32 $1.000000000e+01, s31;
	s7 =	ssub.s32 s7, s10;
	s6 =	sand.u32 $0xFFFFFC00, s6  }
0x2e: {  	p1 =	sne.s32 s5, $0x1;
	s10 =	sand.u32 $0x70, s10;
	v1 =	vmov s7;
	s6 =	sadd.s32 s6, s30  }
.Ltmp1:
0x2f: {  	v2 =	vmov s8;
	vm0 =	veq.s32 v1, v0;
	s6 =	sor.u32 s10, s6;
	(pc) =	sbr.rel @!p1 .LBB2_3-.Ltmp1, $4  }
0x30: {  	s11 =	rddreg [dreg:$0x8];
	v1 =	vnsel vm0, $0x0, v2;
	s6 =	sshrl.u32 s6, $0x3  }
0x31: {  	[tilespmem:$0x100] =	vst v1;
	s6 =	sadd.s32 s6, s11  }
0x32: {  	[hbm4b:s6+s2] =	stream.linear.scatter [tilespmem:s4], [sflag:$0x1], $0x10, $0x38;
	[tilespmem:$0x180] =	vst v63  }
0x33: {  	s5 =	sadd.s32 $0xFFFFFFFF, s5;
	p0 =	por $0x1, $0x1;
	_ =	swait.ge [sflag:s3], $0x10  }
.LBB2_2:
0x34: {  	[sflag:s3] =	ssyncset.done $0x0  }
0x35: {  	s6 =	rddreg [dreg:$0x4];
	[sflag:s3] =	ssyncadd.s32 $0xFFFFFFF0  }
0x36: {  	[tilespmem:s2], [sflag:$0x1] =	stream.linear.gather [hbm4b:s6+s2], $0x10, $0x38;
	[tilespmem:$0x180] =	vst v63  }
0x37: {  	_ =	swait.ge [sflag:s3], $0x10  }
0x38: {  	s25 =	rddreg [dreg:$0x5];
	[sflag:s3] =	ssyncset.done $0x0  }
0x39: {  	s7 =	rddreg [dreg:$0x6];
	[sflag:s3] =	ssyncadd.s32 $0xFFFFFFF0  }
0x3a: {  	[tilespmem:s25], [sflag:$0x1] =	stream.linear.gather [hbm4b:s7+s2], $0x1, $0x38;
	[tilespmem:$0x180] =	vst v63  }
0x3b: {  	_ =	swait.ge [sflag:s3], $0x1  }
0x3c: {  	[sflag:s3] =	ssyncset.done $0x0  }
0x3d: {  	[sflag:s3] =	ssyncadd.s32 $0xFFFFFFFF  }
0x3e: {  	v1 =	vld [tilespmem:$0x0];
	_ =	sdelay $0x4  }
0x3f: {  	(v2sf) =	vpush v1, $0xF;
	_ =	sdelay $0xe  }
0x40: {  	v2 =	vld [tilespmem:$0x80];
	s26 =	spop (v2sf)  }
0x41: {  	s6 =	sadd.s32 $0x1, s26  }
0x42: {  	s8 =	smulhi.u32 $0x4189BD85, s6;
	s9 =	sshra.s32 s6, $0x1F  }
0x43: {  	s9 =	smul.u32 $0x4189BD85, s9;
	_ =	sdelay $0x1  }
0x44: {  	(v2sf) =	vpush v2, $0x0;
	s8 =	sadd.s32 s9, s8  }
0x45: {  	s9 =	sshrl.u32 s8, $0x1F;
	s8 =	sshra.s32 s8, $0xD  }
0x46: {  	s8 =	sadd.s32 s9, s8  }
0x47: {  	s8 =	smul.u32 $0x7CFF, s8;
	_ =	sdelay $0x1  }
0x48: {  	s6 =	ssub.s32 s6, s8  }
0x49: {  	p2 =	slt.s32 s6, $0x0;
	s8 =	sadd.s32 $0x7CFF, s6  }
0x4a: {  	s6 =	smov.u32 @p2 s8  }
0x4b: {  	s8 =	sadd.s32 $0x1, s6  }
0x4c: {  	s30 =	sand.u32 $0xF, s8  }
0x4d: {  	p2 =	slt.s32 s6, $0x0;
	s29 =	sshra.s32 s8, $0x1F;
	p3 =	sne.s32 s30, $0x0  }
0x4e: {  	s9 =	sshrl.u32 s29, $0x1C;
	p2 =	por !p2, !p3  }
0x4f: {  	s31 =	sadd.s32 s9, s8;
	s9 =	simm.s32 $0x1;
	p2 =	por !p2, !p2  }
0x50: {  	s6 =	sshra.s32 s31, $0x4;
	s9 =	simm.s32 @!p2 $0x0  }
0x51: {  	s10 =	rddreg [dreg:$0x7];
	s6 =	ssub.s32 s6, s9  }
0x52: {  	s28 =	spop (v2sf);
	s9 =	sshll.u32 s6, $0x4;
	s6 =	sshll.u32 s6, $0x7  }
0x53: {  	s7 =	sadd.f32 $1.000000000e+01, s28;
	s8 =	ssub.s32 s8, s9;
	s6 =	sand.u32 $0xFFFFFC00, s6  }
0x54: {  	p1 =	sne.s32 s5, $0x1;
	s9 =	sand.u32 $0x70, s9;
	v1 =	vmov s8;
	s6 =	sadd.s32 s6, s10  }
.Ltmp2:
0x55: {  	v2 =	vmov s7;
	vm0 =	veq.s32 v1, v0;
	s6 =	sor.u32 s9, s6;
	(pc) =	sbr.rel @p1 .LBB2_2-.Ltmp2, $4  }
0x56: {  	s11 =	rddreg [dreg:$0x8];
	v1 =	vnsel vm0, $0x0, v2;
	s6 =	sshrl.u32 s6, $0x3  }
0x57: {  	[tilespmem:$0x100] =	vst v1;
	s6 =	sadd.s32 s6, s11  }
0x58: {  	[hbm4b:s6+s2] =	stream.linear.scatter [tilespmem:s4], [sflag:$0x1], $0x10, $0x38;
	[tilespmem:$0x180] =	vst v63  }
0x59: {  	s5 =	sadd.s32 $0xFFFFFFFF, s5;
	_ =	swait.ge [sflag:s3], $0x10  }
.LBB2_3:
0x5a: {  	[sflag:s3] =	ssyncset.done @p0 $0x0  }
0x5b: {  	s5 =	rddreg [dreg:$0x4];
	[sflag:s3] =	ssyncadd.s32 @p0 $0xFFFFFFF0  }
0x5c: {  	[tilespmem:s2], [sflag:$0x1] =	stream.linear.gather [hbm4b:s5+s2], $0x10, $0x38;
	[tilespmem:$0x180] =	vst v63  }
0x5d: {  	_ =	swait.ge [sflag:s3], $0x10  }
0x5e: {  	s24 =	rddreg [dreg:$0x5];
	[sflag:s3] =	ssyncset.done $0x0  }
0x5f: {  	s6 =	rddreg [dreg:$0x6];
	[sflag:s3] =	ssyncadd.s32 $0xFFFFFFF0  }
0x60: {  	[tilespmem:s24], [sflag:$0x1] =	stream.linear.gather [hbm4b:s6+s2], $0x1, $0x38;
	[tilespmem:$0x180] =	vst v63  }
0x61: {  	_ =	swait.ge [sflag:s3], $0x1  }
0x62: {  	[sflag:s3] =	ssyncset.done $0x0  }
0x63: {  	[sflag:s3] =	ssyncadd.s32 $0xFFFFFFFF  }
0x64: {  	v1 =	vld [tilespmem:$0x0];
	_ =	sdelay $0x4  }
0x65: {  	(v2sf) =	vpush v1, $0xF;
	_ =	sdelay $0xe  }
0x66: {  	v62 =	vld [tilespmem:$0x80];
	s25 =	spop (v2sf)  }
0x67: {  	s5 =	sadd.s32 $0x1, s25  }
0x68: {  	s26 =	smulhi.u32 $0x4189BD85, s5;
	s7 =	sshra.s32 s5, $0x1F  }
0x69: {  	s7 =	smul.u32 $0x4189BD85, s7;
	_ =	sdelay $0x1  }
0x6a: {  	(v2sf) =	vpush v62, $0x0;
	s6 =	sadd.s32 s7, s26  }
0x6b: {  	s7 =	sshrl.u32 s6, $0x1F;
	s6 =	sshra.s32 s6, $0xD  }
0x6c: {  	s6 =	sadd.s32 s7, s6  }
0x6d: {  	s6 =	smul.u32 $0x7CFF, s6;
	_ =	sdelay $0x1  }
0x6e: {  	s5 =	ssub.s32 s5, s6  }
0x6f: {  	p0 =	slt.s32 s5, $0x0;
	s6 =	sadd.s32 $0x7CFF, s5  }
0x70: {  	s5 =	smov.u32 @p0 s6  }
0x71: {  	s6 =	sadd.s32 $0x1, s5  }
0x72: {  	s28 =	sand.u32 $0xF, s6  }
0x73: {  	p0 =	slt.s32 s5, $0x0;
	s8 =	sshra.s32 s6, $0x1F;
	p1 =	sne.s32 s28, $0x0  }
0x74: {  	s29 =	sshrl.u32 s8, $0x1C;
	p0 =	por !p0, !p1  }
0x75: {  	s7 =	simm.s32 $0x1;
	s5 =	sadd.s32 s29, s6;
	p0 =	por !p0, !p0  }
0x76: {  	s5 =	sshra.s32 s5, $0x4;
	s7 =	simm.s32 @!p0 $0x0  }
0x77: {  	s30 =	rddreg [dreg:$0x7];
	s5 =	ssub.s32 s5, s7  }
0x78: {  	s31 =	spop (v2sf);
	s9 =	sshll.u32 s5, $0x4;
	s5 =	sshll.u32 s5, $0x7  }
0x79: {  	s7 =	sadd.f32 $1.000000000e+01, s31;
	s6 =	ssub.s32 s6, s9;
	s5 =	sand.u32 $0xFFFFFC00, s5  }
0x7a: {  	s9 =	sand.u32 $0x70, s9;
	v63 =	vmov s6;
	s5 =	sadd.s32 s5, s30  }
0x7b: {  	v2 =	vmov s7;
	vm0 =	veq.s32 v63, v0;
	s5 =	sor.u32 s9, s5  }
0x7c: {  	s10 =	rddreg [dreg:$0x8];
	v0 =	vnsel vm0, $0x0, v2;
	s5 =	sshrl.u32 s5, $0x3  }
0x7d: {  	[tilespmem:$0x100] =	vst v0;
	s5 =	sadd.s32 s5, s10  }
0x7e: {  	[hbm4b:s5+s2] =	stream.linear.scatter [tilespmem:s4], [sflag:$0x1], $0x10, $0x38;
	[tilespmem:$0x180] =	vst v63  }
0x7f: {  	_ =	swait.ge [sflag:s3], $0x10  }
0x80: {  	[sflag:s3] =	ssyncset.done $0x0  }
0x81: {  	[sflag:s3] =	ssyncadd.s32 $0xFFFFFFF0  }
0x82: {  	_ =	sfence.sel $0x180000  }
0x83: {  	[bflag:$0x0] =	sbarrier.arrive $0xFFFF  }
0x84: {  	p0 =	sne.s32 s0, $0x0;
	_ =	strace $0x90000047  }
0x85: {  	s0 =	sadd.s32 @!p0 $0x100000, s1;
	[bflag:$0x2] =	sbarrier.arrive $0xFFFF  }
0x86: {  	[sflag:s0] =	ssyncadd.tile.s32 @!p0 $0x1;
	_ =	shalt  }
.Lfunc_end2:
_tile_overlayer_lowered:
.L_overlay_start_2:
0x87: {  	(tag) =	ssettag $0x2  }
0x88: {  	s0 =	rddreg [dreg:$0x0];
	s2 =	stileid.u32  }
0x89: {  	s1 =	rddreg [dreg:$0x1];
	p0 =	sne.s32 s2, $0x0  }
0x8a: {  	s3 =	rddreg [dreg:$0x2];
	[bflag:$0x3] =	sbarrier.arrive $0xFFFF;
	s2 =	simm.s32 @!p0 $0x1C01  }
0x8b: {  	[timem:s3], [sflag:s2] =	dma.local @!p0 [hbm:s0], s1  }
0x8c: {  	s0 =	simm.s32 @!p0 $0x1  }
0x8d: {  	_ =	swait.ge @!p0 [sflag:s0], s1  }
0x8e: {  	s1 =	ssub.s32 @!p0 $0x0, s1;
	[sflag:s0] =	ssyncset.done @!p0 $0x0  }
0x8f: {  	[sflag:s0] =	ssyncadd.s32 @!p0 s1  }
0x90: {  	[bflag:$0x3] =	sbarrier.arrive $0xFFFF  }
0x91: {  	_ =	shalt  }

</sc_bundles>
